<compile_context>
chip_gen: v7x
topology: tpu7x:2x2x1
jax: 0.10.2.dev20260603
libtpu: 0.0.44.dev20260713+nightly
codegen_flags: <defaults>
</compile_context>

<pallas_src>
import functools

import jax
import jax.numpy as jnp
from jax import lax
from jax.experimental import pallas as pl
from jax.experimental.pallas import tpu as pltpu
from jax.experimental.pallas import tpu_sc as plsc

_GRID_W = 50
_K = 2500
_KPAD = 2560
_D = 128
_B = 8192
_BB = 1024
_G = _B // _BB
_KSPLIT = 1256


def _bmu_body(x_ref, x2_ref, w_ref, w2a_ref, w2b_ref, kidf_ref, bmu_ref, li_ref, lj_ref):
    x = x_ref[...]
    w = w_ref[...]
    xs = x + x
    dot2 = lax.dot_general(
        xs.astype(jnp.bfloat16), w.astype(jnp.bfloat16),
        (((1,), (1,)), ((), ())),
        preferred_element_type=jnp.float32,
    )
    x2 = x2_ref[0]
    w2a = w2a_ref[0]
    w2b = w2b_ref[0]
    base = x2 - dot2
    v1 = jnp.min(base + w2a, axis=1, keepdims=True)
    v2 = jnp.min(base + w2b, axis=1, keepdims=True)
    c1 = v1.astype(jnp.bfloat16).astype(jnp.float32)
    cond = v2 < c1
    vw = jnp.where(cond, v2, v1)
    w2sel = jnp.where(cond, w2b, w2a)
    kidf = kidf_ref[0]
    bmuf = jnp.min(
        jnp.where(base + w2sel == vw, kidf, jnp.float32(_KPAD)), axis=1
    )
    bmu = bmuf.astype(jnp.int32)
    bmu_ref[0, 0, :] = bmu
    li_ref[0, 0, :] = lax.div(bmu, _GRID_W).astype(jnp.float32)
    lj_ref[0, 0, :] = lax.rem(bmu, _GRID_W).astype(jnp.float32)


def _bmu_call(x, x2_3d, wpad, w2a_3d, w2b_3d, kidf_3d):
    return pl.pallas_call(
        _bmu_body,
        grid=(_G,),
        in_specs=[
            pl.BlockSpec((_BB, _D), lambda g: (g, 0)),
            pl.BlockSpec((1, _BB, 1), lambda g: (g, 0, 0)),
            pl.BlockSpec((_KPAD, _D), lambda g: (0, 0)),
            pl.BlockSpec((1, 1, _KPAD), lambda g: (0, 0, 0)),
            pl.BlockSpec((1, 1, _KPAD), lambda g: (0, 0, 0)),
            pl.BlockSpec((1, 1, _KPAD), lambda g: (0, 0, 0)),
        ],
        out_specs=[
            pl.BlockSpec((1, 1, _BB), lambda g: (g, 0, 0)),
            pl.BlockSpec((1, 1, _BB), lambda g: (g, 0, 0)),
            pl.BlockSpec((1, 1, _BB), lambda g: (g, 0, 0)),
        ],
        out_shape=[
            jax.ShapeDtypeStruct((_G, 1, _BB), jnp.int32),
            jax.ShapeDtypeStruct((_G, 1, _BB), jnp.float32),
            jax.ShapeDtypeStruct((_G, 1, _BB), jnp.float32),
        ],
    )(x, x2_3d, wpad, w2a_3d, w2b_3d, kidf_3d)


@functools.lru_cache(maxsize=None)
def _make_sc_gather():
    info = plsc.get_sparse_core_info()
    nc, ns = info.num_cores, info.num_subcores
    nw = nc * ns
    bpw = _B // nw
    ch = 128
    nch = bpw // ch
    mesh = plsc.VectorSubcoreMesh(core_axis_name="c", subcore_axis_name="s")

    @functools.partial(
        pl.kernel,
        mesh=mesh,
        out_type=jax.ShapeDtypeStruct((_B, _D), jnp.float32),
        scratch_types=[
            pltpu.VMEM((nch, ch), jnp.int32),
            pltpu.VMEM((nch, ch, _D), jnp.float32),
            pltpu.SemaphoreType.DMA,
            pltpu.SemaphoreType.DMA,
        ],
    )
    def gather(table_hbm, idx_hbm, out_hbm, idx_v, rows_v, sem, sem_out):
        wid = lax.axis_index("s") * nc + lax.axis_index("c")
        base = wid * bpw
        for c in range(nch):
            pltpu.sync_copy(idx_hbm.at[pl.ds(base + c * ch, ch)], idx_v.at[c])
        gets = [
            pltpu.async_copy(table_hbm.at[idx_v.at[c]], rows_v.at[c], sem)
            for c in range(nch)
        ]
        puts = []
        for c in range(nch):
            gets[c].wait()
            puts.append(
                pltpu.async_copy(
                    rows_v.at[c], out_hbm.at[pl.ds(base + c * ch, ch)], sem_out
                )
            )
        for p in puts:
            p.wait()

    return gather


def kernel(x, weights):
    x2 = jnp.sum(x * x, axis=1, keepdims=True)
    w2 = jnp.sum(weights * weights, axis=1)
    wpad = jnp.pad(weights, ((0, _KPAD - _K), (0, 0)))
    w2p = jnp.pad(w2, (0, _KPAD - _K), constant_values=jnp.inf)
    karange = jnp.arange(_KPAD)
    inf = jnp.float32(jnp.inf)
    w2a_3d = jnp.where(karange < _KSPLIT, w2p, inf).reshape(1, 1, _KPAD)
    w2b_3d = jnp.where(karange < _KSPLIT, inf, w2p).reshape(1, 1, _KPAD)
    kidf_3d = karange.astype(jnp.float32).reshape(1, 1, _KPAD)
    x2_3d = x2.reshape(_G, _BB, 1)
    bmu3, li3, lj3 = _bmu_call(x, x2_3d, wpad, w2a_3d, w2b_3d, kidf_3d)
    bmu = bmu3.reshape(_B)
    quantized = _make_sc_gather()(weights, bmu)
    bmu_locs = jnp.stack([li3.reshape(_B), lj3.reshape(_B)], axis=1)
    return quantized, bmu_locs

# --- scband reference (transcript-rebuilt; emitter-appended) ---
"""Pipeline reference for scband-kohonen-som-25220047962466 (READ-ONLY COPY).

The authoritative reference and input builder live on the scoring server;
editing this copy changes nothing except your own understanding.
"""

import jax, jax.numpy as jnp
import numpy as np

GRID = (50, 50)
NUM_NEURONS = GRID[0] * GRID[1]
INPUT_DIM = 128
BATCH = 8192


def _locations():
    # rectangular grid locations, matching KohonenSOM._create_locations
    ii, jj = jnp.meshgrid(jnp.arange(GRID[0]), jnp.arange(GRID[1]), indexing='ij')
    return jnp.stack([ii.reshape(-1), jj.reshape(-1)], axis=1).astype(jnp.float32)


def setup_inputs(seed: int = 0) -> dict:
    key = jax.random.key(seed)
    k1, k2 = jax.random.split(key)
    x = jax.random.normal(k1, (BATCH, INPUT_DIM), dtype=jnp.float32)
    # weights initialized uniform in [0,1) like torch.rand in init_method='random'
    weights = jax.random.uniform(k2, (NUM_NEURONS, INPUT_DIM), dtype=jnp.float32)
    return {"x": x, "weights": weights}


def reference(x, weights):
    # SOM forward / map-to-BMU: compute squared Euclidean distance from every
    # sample to every neuron weight, take argmin (BMU), return the quantized
    # weight vector (VQ output) and the BMU grid coordinates.
    locations = _locations()
    x2 = jnp.sum(x * x, axis=1, keepdims=True)          # [B, 1]
    w2 = jnp.sum(weights * weights, axis=1)              # [K]
    d2 = x2 - 2.0 * (x @ weights.T) + w2[None, :]        # [B, K]
    bmu = jnp.argmin(d2, axis=1)                         # [B]
    quantized = jnp.take(weights, bmu, axis=0)           # [B, D] gather from codebook
    bmu_locs = jnp.take(locations, bmu, axis=0)          # [B, 2]
    return quantized, bmu_locs

if __name__ == "__main__":
    import jax
    _d = setup_inputs()
    print(jax.jit(kernel)(*tuple(_d.values())))

</pallas_src>

<mosaic_0001>
#map = affine_map<(d0, d1) -> (0, 0)>
#map1 = affine_map<(d0, d1) -> (0)>
module attributes {stable_mosaic.version = 14 : i64} {
  func.func @gather(%arg0: i32, %arg1: i32, %arg2: memref<2500x128xf32, #tpu.memory_space<hbm>>, %arg3: memref<8192xi32, #tpu.memory_space<hbm>>, %arg4: memref<8192x128xf32, #tpu.memory_space<hbm>>, %arg5: memref<2x128xi32, #tpu.memory_space<vmem>>, %arg6: memref<2x128x128xf32, #tpu.memory_space<vmem>>, %arg7: memref<!tpu.dma_semaphore, #tpu.memory_space<semaphore_mem>>, %arg8: memref<!tpu.dma_semaphore, #tpu.memory_space<semaphore_mem>>) attributes {dimension_semantics = [#tpu.dimension_semantics<core_parallel>, #tpu.dimension_semantics<subcore_parallel>], iteration_bounds = array<i64: 2, 16>, scalar_prefetch = 0 : i64, scratch_operands = 4 : i64, tpu.core_type = #tpu.core_type<sc_vector_subcore>, window_params = [{transform_indices = #map}, {transform_indices = #map1}, {transform_indices = #map}]} {
    %mul3A = arith.constant 2 : i32
    %mul3A_0 = arith.muli %arg1, %mul3A : i32
    %add3A = arith.addi %mul3A_0, %arg0 : i32
    %mul3A_1 = arith.constant 256 : i32
    %mul3A_2 = arith.muli %add3A, %mul3A_1 : i32
    %add3A_3 = arith.constant 0 : i32
    %add3A_4 = arith.addi %mul3A_2, %add3A_3 : i32
    %run_scoped3A = arith.constant 0 : i32
    "tpu.region"() ({
      %run_scoped3A_110 = tpu.sem_alloc : memref<!tpu.dma_semaphore, #tpu.memory_space<semaphore_mem>>
      %dma_start3A_111 = arith.constant 0 : i32
      %dma_start3A_112 = tpu.memref_slice %arg5[%run_scoped3A, %dma_start3A_111] : memref<2x128xi32, #tpu.memory_space<vmem>> -> memref<1x128xi32, #tpu.memory_space<vmem>>
      %dma_start3A_113 = tpu.memref_squeeze %dma_start3A_112 : memref<1x128xi32, #tpu.memory_space<vmem>> -> memref<128xi32, #tpu.memory_space<vmem>>
      %dma_start3A_114 = tpu.memref_slice %arg3[%add3A_4] : memref<8192xi32, #tpu.memory_space<hbm>> -> memref<128xi32, #tpu.memory_space<hbm>>
      %dma_start3A_115 = arith.constant 0 : i32
      %dma_start3A_116 = tpu.memref_slice %arg5[%run_scoped3A, %dma_start3A_115] : memref<2x128xi32, #tpu.memory_space<vmem>> -> memref<1x128xi32, #tpu.memory_space<vmem>>
      %dma_start3A_117 = tpu.memref_squeeze %dma_start3A_116 : memref<1x128xi32, #tpu.memory_space<vmem>> -> memref<128xi32, #tpu.memory_space<vmem>>
      %dma_start3A_118 = tpu.memref_slice %arg3[%add3A_4] : memref<8192xi32, #tpu.memory_space<hbm>> -> memref<128xi32, #tpu.memory_space<hbm>>
      tpu.enqueue_dma source(%dma_start3A_118 : memref<128xi32, #tpu.memory_space<hbm>>) target(%dma_start3A_117 : memref<128xi32, #tpu.memory_space<vmem>>) target_semaphore(%run_scoped3A_110 : memref<!tpu.dma_semaphore, #tpu.memory_space<semaphore_mem>>)
      %dma_wait3A_119 = arith.constant 0 : i32
      %dma_wait3A_120 = tpu.memref_slice %arg5[%run_scoped3A, %dma_wait3A_119] : memref<2x128xi32, #tpu.memory_space<vmem>> -> memref<1x128xi32, #tpu.memory_space<vmem>>
      %dma_wait3A_121 = tpu.memref_squeeze %dma_wait3A_120 : memref<1x128xi32, #tpu.memory_space<vmem>> -> memref<128xi32, #tpu.memory_space<vmem>>
      %dma_wait3A_122 = tpu.memref_slice %arg3[%add3A_4] : memref<8192xi32, #tpu.memory_space<hbm>> -> memref<128xi32, #tpu.memory_space<hbm>>
      %dma_wait3A_123 = arith.constant 0 : i32
      %dma_wait3A_124 = tpu.memref_slice %arg5[%run_scoped3A, %dma_wait3A_123] : memref<2x128xi32, #tpu.memory_space<vmem>> -> memref<1x128xi32, #tpu.memory_space<vmem>>
      %dma_wait3A_125 = tpu.memref_squeeze %dma_wait3A_124 : memref<1x128xi32, #tpu.memory_space<vmem>> -> memref<128xi32, #tpu.memory_space<vmem>>
      %dma_wait3A_126 = tpu.memref_slice %arg3[%add3A_4] : memref<8192xi32, #tpu.memory_space<hbm>> -> memref<128xi32, #tpu.memory_space<hbm>>
      tpu.wait_dma2 semaphore(%run_scoped3A_110 : memref<!tpu.dma_semaphore, #tpu.memory_space<semaphore_mem>>) src(%dma_wait3A_126 : memref<128xi32, #tpu.memory_space<hbm>>) dst(%dma_wait3A_125 : memref<128xi32, #tpu.memory_space<vmem>>)
      tpu.yield
    }) : () -> ()
    %add3A_5 = arith.constant 128 : i32
    %add3A_6 = arith.addi %mul3A_2, %add3A_5 : i32
    %run_scoped3A_7 = arith.constant 1 : i32
    "tpu.region"() ({
      %run_scoped3A_110 = tpu.sem_alloc : memref<!tpu.dma_semaphore, #tpu.memory_space<semaphore_mem>>
      %dma_start3A_111 = arith.constant 0 : i32
      %dma_start3A_112 = tpu.memref_slice %arg5[%run_scoped3A_7, %dma_start3A_111] : memref<2x128xi32, #tpu.memory_space<vmem>> -> memref<1x128xi32, #tpu.memory_space<vmem>>
      %dma_start3A_113 = tpu.memref_squeeze %dma_start3A_112 : memref<1x128xi32, #tpu.memory_space<vmem>> -> memref<128xi32, #tpu.memory_space<vmem>>
      %dma_start3A_114 = tpu.memref_slice %arg3[%add3A_6] : memref<8192xi32, #tpu.memory_space<hbm>> -> memref<128xi32, #tpu.memory_space<hbm>>
      %dma_start3A_115 = arith.constant 0 : i32
      %dma_start3A_116 = tpu.memref_slice %arg5[%run_scoped3A_7, %dma_start3A_115] : memref<2x128xi32, #tpu.memory_space<vmem>> -> memref<1x128xi32, #tpu.memory_space<vmem>>
      %dma_start3A_117 = tpu.memref_squeeze %dma_start3A_116 : memref<1x128xi32, #tpu.memory_space<vmem>> -> memref<128xi32, #tpu.memory_space<vmem>>
      %dma_start3A_118 = tpu.memref_slice %arg3[%add3A_6] : memref<8192xi32, #tpu.memory_space<hbm>> -> memref<128xi32, #tpu.memory_space<hbm>>
      tpu.enqueue_dma source(%dma_start3A_118 : memref<128xi32, #tpu.memory_space<hbm>>) target(%dma_start3A_117 : memref<128xi32, #tpu.memory_space<vmem>>) target_semaphore(%run_scoped3A_110 : memref<!tpu.dma_semaphore, #tpu.memory_space<semaphore_mem>>)
      %dma_wait3A_119 = arith.constant 0 : i32
      %dma_wait3A_120 = tpu.memref_slice %arg5[%run_scoped3A_7, %dma_wait3A_119] : memref<2x128xi32, #tpu.memory_space<vmem>> -> memref<1x128xi32, #tpu.memory_space<vmem>>
      %dma_wait3A_121 = tpu.memref_squeeze %dma_wait3A_120 : memref<1x128xi32, #tpu.memory_space<vmem>> -> memref<128xi32, #tpu.memory_space<vmem>>
      %dma_wait3A_122 = tpu.memref_slice %arg3[%add3A_6] : memref<8192xi32, #tpu.memory_space<hbm>> -> memref<128xi32, #tpu.memory_space<hbm>>
      %dma_wait3A_123 = arith.constant 0 : i32
      %dma_wait3A_124 = tpu.memref_slice %arg5[%run_scoped3A_7, %dma_wait3A_123] : memref<2x128xi32, #tpu.memory_space<vmem>> -> memref<1x128xi32, #tpu.memory_space<vmem>>
      %dma_wait3A_125 = tpu.memref_squeeze %dma_wait3A_124 : memref<1x128xi32, #tpu.memory_space<vmem>> -> memref<128xi32, #tpu.memory_space<vmem>>
      %dma_wait3A_126 = tpu.memref_slice %arg3[%add3A_6] : memref<8192xi32, #tpu.memory_space<hbm>> -> memref<128xi32, #tpu.memory_space<hbm>>
      tpu.wait_dma2 semaphore(%run_scoped3A_110 : memref<!tpu.dma_semaphore, #tpu.memory_space<semaphore_mem>>) src(%dma_wait3A_126 : memref<128xi32, #tpu.memory_space<hbm>>) dst(%dma_wait3A_125 : memref<128xi32, #tpu.memory_space<vmem>>)
      tpu.yield
    }) : () -> ()
    %dma_start3A = arith.constant 0 : i32
    %dma_start3A_8 = arith.constant 0 : i32
    %dma_start3A_9 = arith.constant 0 : i32
    %dma_start3A_10 = arith.constant 0 : i32
    %dma_start3A_11 = tpu.memref_slice %arg6[%dma_start3A_8, %dma_start3A_9, %dma_start3A_10] : memref<2x128x128xf32, #tpu.memory_space<vmem>> -> memref<1x128x128xf32, #tpu.memory_space<vmem>>
    %dma_start3A_12 = tpu.memref_squeeze %dma_start3A_11 : memref<1x128x128xf32, #tpu.memory_space<vmem>> -> memref<128x128xf32, #tpu.memory_space<vmem>>
    %dma_start3A_13 = arith.constant 0 : i32
    %dma_start3A_14 = tpu.memref_slice %arg5[%dma_start3A, %dma_start3A_13] : memref<2x128xi32, #tpu.memory_space<vmem>> -> memref<1x128xi32, #tpu.memory_space<vmem>>
    %dma_start3A_15 = tpu.memref_squeeze %dma_start3A_14 : memref<1x128xi32, #tpu.memory_space<vmem>> -> memref<128xi32, #tpu.memory_space<vmem>>
    %dma_start3A_16 = arith.constant 0 : i32
    %dma_start3A_17 = arith.constant 0 : i32
    %dma_start3A_18 = tpu.memref_slice %arg2[%dma_start3A_16, %dma_start3A_17] : memref<2500x128xf32, #tpu.memory_space<hbm>> -> memref<2500x128xf32, #tpu.memory_space<hbm>>
    tpu.enqueue_indirect_dma source(%dma_start3A_18 : memref<2500x128xf32, #tpu.memory_space<hbm>>) target(%dma_start3A_12 : memref<128x128xf32, #tpu.memory_space<vmem>>) offsets(%dma_start3A_15 : memref<128xi32, #tpu.memory_space<vmem>>) semaphore(%arg7 : memref<!tpu.dma_semaphore, #tpu.memory_space<semaphore_mem>>)
    %dma_start3A_19 = arith.constant 1 : i32
    %dma_start3A_20 = arith.constant 1 : i32
    %dma_start3A_21 = arith.constant 0 : i32
    %dma_start3A_22 = arith.constant 0 : i32
    %dma_start3A_23 = tpu.memref_slice %arg6[%dma_start3A_20, %dma_start3A_21, %dma_start3A_22] : memref<2x128x128xf32, #tpu.memory_space<vmem>> -> memref<1x128x128xf32, #tpu.memory_space<vmem>>
    %dma_start3A_24 = tpu.memref_squeeze %dma_start3A_23 : memref<1x128x128xf32, #tpu.memory_space<vmem>> -> memref<128x128xf32, #tpu.memory_space<vmem>>
    %dma_start3A_25 = arith.constant 0 : i32
    %dma_start3A_26 = tpu.memref_slice %arg5[%dma_start3A_19, %dma_start3A_25] : memref<2x128xi32, #tpu.memory_space<vmem>> -> memref<1x128xi32, #tpu.memory_space<vmem>>
    %dma_start3A_27 = tpu.memref_squeeze %dma_start3A_26 : memref<1x128xi32, #tpu.memory_space<vmem>> -> memref<128xi32, #tpu.memory_space<vmem>>
    %dma_start3A_28 = arith.constant 0 : i32
    %dma_start3A_29 = arith.constant 0 : i32
    %dma_start3A_30 = tpu.memref_slice %arg2[%dma_start3A_28, %dma_start3A_29] : memref<2500x128xf32, #tpu.memory_space<hbm>> -> memref<2500x128xf32, #tpu.memory_space<hbm>>
    tpu.enqueue_indirect_dma source(%dma_start3A_30 : memref<2500x128xf32, #tpu.memory_space<hbm>>) target(%dma_start3A_24 : memref<128x128xf32, #tpu.memory_space<vmem>>) offsets(%dma_start3A_27 : memref<128xi32, #tpu.memory_space<vmem>>) semaphore(%arg7 : memref<!tpu.dma_semaphore, #tpu.memory_space<semaphore_mem>>)
    %dma_wait3A = arith.constant 0 : i32
    %dma_wait3A_31 = arith.constant 0 : i32
    %dma_wait3A_32 = arith.constant 0 : i32
    %dma_wait3A_33 = arith.constant 0 : i32
    %dma_wait3A_34 = tpu.memref_slice %arg6[%dma_wait3A_31, %dma_wait3A_32, %dma_wait3A_33] : memref<2x128x128xf32, #tpu.memory_space<vmem>> -> memref<1x128x128xf32, #tpu.memory_space<vmem>>
    %dma_wait3A_35 = tpu.memref_squeeze %dma_wait3A_34 : memref<1x128x128xf32, #tpu.memory_space<vmem>> -> memref<128x128xf32, #tpu.memory_space<vmem>>
    %dma_wait3A_36 = arith.constant 0 : i32
    %dma_wait3A_37 = tpu.memref_slice %arg5[%dma_wait3A, %dma_wait3A_36] : memref<2x128xi32, #tpu.memory_space<vmem>> -> memref<1x128xi32, #tpu.memory_space<vmem>>
    %dma_wait3A_38 = tpu.memref_squeeze %dma_wait3A_37 : memref<1x128xi32, #tpu.memory_space<vmem>> -> memref<128xi32, #tpu.memory_space<vmem>>
    %dma_wait3A_39 = arith.constant 0 : i32
    %dma_wait3A_40 = arith.constant 0 : i32
    %dma_wait3A_41 = tpu.memref_slice %arg2[%dma_wait3A_39, %dma_wait3A_40] : memref<2500x128xf32, #tpu.memory_space<hbm>> -> memref<2500x128xf32, #tpu.memory_space<hbm>>
    tpu.wait_indirect_dma semaphore(%arg7 : memref<!tpu.dma_semaphore, #tpu.memory_space<semaphore_mem>>) src(%dma_wait3A_41 : memref<2500x128xf32, #tpu.memory_space<hbm>>) dst(%dma_wait3A_35 : memref<128x128xf32, #tpu.memory_space<vmem>>)
    %add3A_42 = arith.constant 0 : i32
    %add3A_43 = arith.addi %mul3A_2, %add3A_42 : i32
    %dma_start3A_44 = arith.constant 0 : i32
    %dma_start3A_45 = arith.constant 0 : i32
    %dma_start3A_46 = arith.constant 0 : i32
    %dma_start3A_47 = tpu.memref_slice %arg6[%dma_start3A_44, %dma_start3A_45, %dma_start3A_46] : memref<2x128x128xf32, #tpu.memory_space<vmem>> -> memref<1x128x128xf32, #tpu.memory_space<vmem>>
    %dma_start3A_48 = tpu.memref_squeeze %dma_start3A_47 : memref<1x128x128xf32, #tpu.memory_space<vmem>> -> memref<128x128xf32, #tpu.memory_space<vmem>>
    %dma_start3A_49 = arith.constant 0 : i32
    %dma_start3A_50 = tpu.memref_slice %arg4[%add3A_43, %dma_start3A_49] : memref<8192x128xf32, #tpu.memory_space<hbm>> -> memref<128x128xf32, #tpu.memory_space<hbm>>
    %dma_start3A_51 = arith.constant 0 : i32
    %dma_start3A_52 = tpu.memref_slice %arg4[%add3A_43, %dma_start3A_51] : memref<8192x128xf32, #tpu.memory_space<hbm>> -> memref<128x128xf32, #tpu.memory_space<hbm>>
    %dma_start3A_53 = arith.constant 0 : i32
    %dma_start3A_54 = arith.constant 0 : i32
    %dma_start3A_55 = tpu.memref_slice %arg6[%dma_start3A_44, %dma_start3A_53, %dma_start3A_54] : memref<2x128x128xf32, #tpu.memory_space<vmem>> -> memref<1x128x128xf32, #tpu.memory_space<vmem>>
    %dma_start3A_56 = tpu.memref_squeeze %dma_start3A_55 : memref<1x128x128xf32, #tpu.memory_space<vmem>> -> memref<128x128xf32, #tpu.memory_space<vmem>>
    tpu.enqueue_dma source(%dma_start3A_56 : memref<128x128xf32, #tpu.memory_space<vmem>>) target(%dma_start3A_52 : memref<128x128xf32, #tpu.memory_space<hbm>>) target_semaphore(%arg8 : memref<!tpu.dma_semaphore, #tpu.memory_space<semaphore_mem>>)
    %dma_wait3A_57 = arith.constant 1 : i32
    %dma_wait3A_58 = arith.constant 1 : i32
    %dma_wait3A_59 = arith.constant 0 : i32
    %dma_wait3A_60 = arith.constant 0 : i32
    %dma_wait3A_61 = tpu.memref_slice %arg6[%dma_wait3A_58, %dma_wait3A_59, %dma_wait3A_60] : memref<2x128x128xf32, #tpu.memory_space<vmem>> -> memref<1x128x128xf32, #tpu.memory_space<vmem>>
    %dma_wait3A_62 = tpu.memref_squeeze %dma_wait3A_61 : memref<1x128x128xf32, #tpu.memory_space<vmem>> -> memref<128x128xf32, #tpu.memory_space<vmem>>
    %dma_wait3A_63 = arith.constant 0 : i32
    %dma_wait3A_64 = tpu.memref_slice %arg5[%dma_wait3A_57, %dma_wait3A_63] : memref<2x128xi32, #tpu.memory_space<vmem>> -> memref<1x128xi32, #tpu.memory_space<vmem>>
    %dma_wait3A_65 = tpu.memref_squeeze %dma_wait3A_64 : memref<1x128xi32, #tpu.memory_space<vmem>> -> memref<128xi32, #tpu.memory_space<vmem>>
    %dma_wait3A_66 = arith.constant 0 : i32
    %dma_wait3A_67 = arith.constant 0 : i32
    %dma_wait3A_68 = tpu.memref_slice %arg2[%dma_wait3A_66, %dma_wait3A_67] : memref<2500x128xf32, #tpu.memory_space<hbm>> -> memref<2500x128xf32, #tpu.memory_space<hbm>>
    tpu.wait_indirect_dma semaphore(%arg7 : memref<!tpu.dma_semaphore, #tpu.memory_space<semaphore_mem>>) src(%dma_wait3A_68 : memref<2500x128xf32, #tpu.memory_space<hbm>>) dst(%dma_wait3A_62 : memref<128x128xf32, #tpu.memory_space<vmem>>)
    %add3A_69 = arith.constant 128 : i32
    %add3A_70 = arith.addi %mul3A_2, %add3A_69 : i32
    %dma_start3A_71 = arith.constant 1 : i32
    %dma_start3A_72 = arith.constant 0 : i32
    %dma_start3A_73 = arith.constant 0 : i32
    %dma_start3A_74 = tpu.memref_slice %arg6[%dma_start3A_71, %dma_start3A_72, %dma_start3A_73] : memref<2x128x128xf32, #tpu.memory_space<vmem>> -> memref<1x128x128xf32, #tpu.memory_space<vmem>>
    %dma_start3A_75 = tpu.memref_squeeze %dma_start3A_74 : memref<1x128x128xf32, #tpu.memory_space<vmem>> -> memref<128x128xf32, #tpu.memory_space<vmem>>
    %dma_start3A_76 = arith.constant 0 : i32
    %dma_start3A_77 = tpu.memref_slice %arg4[%add3A_70, %dma_start3A_76] : memref<8192x128xf32, #tpu.memory_space<hbm>> -> memref<128x128xf32, #tpu.memory_space<hbm>>
    %dma_start3A_78 = arith.constant 0 : i32
    %dma_start3A_79 = tpu.memref_slice %arg4[%add3A_70, %dma_start3A_78] : memref<8192x128xf32, #tpu.memory_space<hbm>> -> memref<128x128xf32, #tpu.memory_space<hbm>>
    %dma_start3A_80 = arith.constant 0 : i32
    %dma_start3A_81 = arith.constant 0 : i32
    %dma_start3A_82 = tpu.memref_slice %arg6[%dma_start3A_71, %dma_start3A_80, %dma_start3A_81] : memref<2x128x128xf32, #tpu.memory_space<vmem>> -> memref<1x128x128xf32, #tpu.memory_space<vmem>>
    %dma_start3A_83 = tpu.memref_squeeze %dma_start3A_82 : memref<1x128x128xf32, #tpu.memory_space<vmem>> -> memref<128x128xf32, #tpu.memory_space<vmem>>
    tpu.enqueue_dma source(%dma_start3A_83 : memref<128x128xf32, #tpu.memory_space<vmem>>) target(%dma_start3A_79 : memref<128x128xf32, #tpu.memory_space<hbm>>) target_semaphore(%arg8 : memref<!tpu.dma_semaphore, #tpu.memory_space<semaphore_mem>>)
    %dma_wait3A_84 = arith.constant 0 : i32
    %dma_wait3A_85 = arith.constant 0 : i32
    %dma_wait3A_86 = arith.constant 0 : i32
    %dma_wait3A_87 = tpu.memref_slice %arg6[%dma_wait3A_84, %dma_wait3A_85, %dma_wait3A_86] : memref<2x128x128xf32, #tpu.memory_space<vmem>> -> memref<1x128x128xf32, #tpu.memory_space<vmem>>
    %dma_wait3A_88 = tpu.memref_squeeze %dma_wait3A_87 : memref<1x128x128xf32, #tpu.memory_space<vmem>> -> memref<128x128xf32, #tpu.memory_space<vmem>>
    %dma_wait3A_89 = arith.constant 0 : i32
    %dma_wait3A_90 = tpu.memref_slice %arg4[%add3A_43, %dma_wait3A_89] : memref<8192x128xf32, #tpu.memory_space<hbm>> -> memref<128x128xf32, #tpu.memory_space<hbm>>
    %dma_wait3A_91 = arith.constant 0 : i32
    %dma_wait3A_92 = tpu.memref_slice %arg4[%add3A_43, %dma_wait3A_91] : memref<8192x128xf32, #tpu.memory_space<hbm>> -> memref<128x128xf32, #tpu.memory_space<hbm>>
    %dma_wait3A_93 = arith.constant 0 : i32
    %dma_wait3A_94 = arith.constant 0 : i32
    %dma_wait3A_95 = tpu.memref_slice %arg6[%dma_wait3A_84, %dma_wait3A_93, %dma_wait3A_94] : memref<2x128x128xf32, #tpu.memory_space<vmem>> -> memref<1x128x128xf32, #tpu.memory_space<vmem>>
    %dma_wait3A_96 = tpu.memref_squeeze %dma_wait3A_95 : memref<1x128x128xf32, #tpu.memory_space<vmem>> -> memref<128x128xf32, #tpu.memory_space<vmem>>
    tpu.wait_dma2 semaphore(%arg8 : memref<!tpu.dma_semaphore, #tpu.memory_space<semaphore_mem>>) src(%dma_wait3A_96 : memref<128x128xf32, #tpu.memory_space<vmem>>) dst(%dma_wait3A_92 : memref<128x128xf32, #tpu.memory_space<hbm>>)
    %dma_wait3A_97 = arith.constant 1 : i32
    %dma_wait3A_98 = arith.constant 0 : i32
    %dma_wait3A_99 = arith.constant 0 : i32
    %dma_wait3A_100 = tpu.memref_slice %arg6[%dma_wait3A_97, %dma_wait3A_98, %dma_wait3A_99] : memref<2x128x128xf32, #tpu.memory_space<vmem>> -> memref<1x128x128xf32, #tpu.memory_space<vmem>>
    %dma_wait3A_101 = tpu.memref_squeeze %dma_wait3A_100 : memref<1x128x128xf32, #tpu.memory_space<vmem>> -> memref<128x128xf32, #tpu.memory_space<vmem>>
    %dma_wait3A_102 = arith.constant 0 : i32
    %dma_wait3A_103 = tpu.memref_slice %arg4[%add3A_70, %dma_wait3A_102] : memref<8192x128xf32, #tpu.memory_space<hbm>> -> memref<128x128xf32, #tpu.memory_space<hbm>>
    %dma_wait3A_104 = arith.constant 0 : i32
    %dma_wait3A_105 = tpu.memref_slice %arg4[%add3A_70, %dma_wait3A_104] : memref<8192x128xf32, #tpu.memory_space<hbm>> -> memref<128x128xf32, #tpu.memory_space<hbm>>
    %dma_wait3A_106 = arith.constant 0 : i32
    %dma_wait3A_107 = arith.constant 0 : i32
    %dma_wait3A_108 = tpu.memref_slice %arg6[%dma_wait3A_97, %dma_wait3A_106, %dma_wait3A_107] : memref<2x128x128xf32, #tpu.memory_space<vmem>> -> memref<1x128x128xf32, #tpu.memory_space<vmem>>
    %dma_wait3A_109 = tpu.memref_squeeze %dma_wait3A_108 : memref<1x128x128xf32, #tpu.memory_space<vmem>> -> memref<128x128xf32, #tpu.memory_space<vmem>>
    tpu.wait_dma2 semaphore(%arg8 : memref<!tpu.dma_semaphore, #tpu.memory_space<semaphore_mem>>) src(%dma_wait3A_109 : memref<128x128xf32, #tpu.memory_space<vmem>>) dst(%dma_wait3A_105 : memref<128x128xf32, #tpu.memory_space<hbm>>)
    return
  }
}

module attributes {stable_mosaic.version = 14 : i64} {
  func.func @_bmu_body(%arg0: i32, %arg1: memref<1024x128xf32, #tpu.memory_space<vmem>>, %arg2: memref<1x1024x1xf32, #tpu.memory_space<vmem>>, %arg3: memref<2560x128xf32, #tpu.memory_space<vmem>>, %arg4: memref<1x1x2560xf32, #tpu.memory_space<vmem>>, %arg5: memref<1x1x2560xf32, #tpu.memory_space<vmem>>, %arg6: memref<1x1x2560xf32, #tpu.memory_space<vmem>>, %arg7: memref<1x1x1024xi32, #tpu.memory_space<vmem>>, %arg8: memref<1x1x1024xf32, #tpu.memory_space<vmem>>, %arg9: memref<1x1x1024xf32, #tpu.memory_space<vmem>>) attributes {dimension_semantics = [#tpu.dimension_semantics<arbitrary>], iteration_bounds = array<i64: 8>, scalar_prefetch = 0 : i64, scratch_operands = 0 : i64, tpu.core_type = #tpu.core_type<tc>, window_params = [{transform_indices = @transform_0, window_bounds = array<i64: 1024, 128>}, {transform_indices = @transform_1, window_bounds = array<i64: 1, 1024, 1>}, {pipeline_mode = #tpu.pipeline_mode<synchronous>, transform_indices = @transform_2, window_bounds = array<i64: 2560, 128>}, {pipeline_mode = #tpu.pipeline_mode<synchronous>, transform_indices = @transform_3, window_bounds = array<i64: 1, 1, 2560>}, {pipeline_mode = #tpu.pipeline_mode<synchronous>, transform_indices = @transform_4, window_bounds = array<i64: 1, 1, 2560>}, {pipeline_mode = #tpu.pipeline_mode<synchronous>, transform_indices = @transform_5, window_bounds = array<i64: 1, 1, 2560>}, {transform_indices = @transform_6, window_bounds = array<i64: 1, 1, 1024>}, {transform_indices = @transform_7, window_bounds = array<i64: 1, 1, 1024>}, {transform_indices = @transform_8, window_bounds = array<i64: 1, 1, 1024>}]} {
    %get3A = arith.constant 0 : index
    %get3A_0 = arith.constant 0 : index
    %get3A_1 = vector.load %arg1[%get3A, %get3A_0] : memref<1024x128xf32, #tpu.memory_space<vmem>>, vector<1024x128xf32>
    %get3A_2 = arith.constant 0 : index
    %get3A_3 = arith.constant 0 : index
    %get3A_4 = vector.load %arg3[%get3A_2, %get3A_3] : memref<2560x128xf32, #tpu.memory_space<vmem>>, vector<2560x128xf32>
    %add3A = arith.addf %get3A_1, %get3A_1 : vector<1024x128xf32>
    %convert_element_type3A = arith.truncf %add3A : vector<1024x128xf32> to vector<1024x128xbf16>
    %convert_element_type3A_5 = arith.truncf %get3A_4 : vector<2560x128xf32> to vector<2560x128xbf16>
    %dot_general3A = arith.constant dense<0.000000e+00> : vector<1024x2560xf32>
    %dot_general3A_6 = tpu.matmul %convert_element_type3A, %convert_element_type3A_5, %dot_general3A {dimension_numbers = #tpu.dot_dimension_numbers<[1], [1], [0], [0], [0, 0, 1, 0], [], []>, transpose_lhs_hint = false} : vector<1024x128xbf16>, vector<2560x128xbf16>, vector<1024x2560xf32> -> vector<1024x2560xf32>
    %get3A_7 = arith.constant 0 : index
    %get3A_8 = arith.constant 0 : index
    %get3A_9 = arith.constant 0 : index
    %get3A_10 = vector.load %arg2[%get3A_7, %get3A_8, %get3A_9] : memref<1x1024x1xf32, #tpu.memory_space<vmem>>, vector<1x1024x1xf32>
    %get3A_11 = vector.shape_cast %get3A_10 : vector<1x1024x1xf32> to vector<1024x1xf32>
    %get3A_12 = arith.constant 0 : index
    %get3A_13 = arith.constant 0 : index
    %get3A_14 = arith.constant 0 : index
    %get3A_15 = vector.load %arg4[%get3A_12, %get3A_13, %get3A_14] : memref<1x1x2560xf32, #tpu.memory_space<vmem>>, vector<1x1x2560xf32>
    %get3A_16 = vector.shape_cast %get3A_15 : vector<1x1x2560xf32> to vector<1x2560xf32>
    %get3A_17 = arith.constant 0 : index
    %get3A_18 = arith.constant 0 : index
    %get3A_19 = arith.constant 0 : index
    %get3A_20 = vector.load %arg5[%get3A_17, %get3A_18, %get3A_19] : memref<1x1x2560xf32, #tpu.memory_space<vmem>>, vector<1x1x2560xf32>
    %get3A_21 = vector.shape_cast %get3A_20 : vector<1x1x2560xf32> to vector<1x2560xf32>
    %sub3A = vector.broadcast %get3A_11 : vector<1024x1xf32> to vector<1024x2560xf32>
    %sub3A_22 = arith.subf %sub3A, %dot_general3A_6 : vector<1024x2560xf32>
    %add3A_23 = vector.broadcast %get3A_16 : vector<1x2560xf32> to vector<1024x2560xf32>
    %add3A_24 = arith.addf %sub3A_22, %add3A_23 : vector<1024x2560xf32>
    %reduce_min3A = arith.constant dense<0x7F800000> : vector<1024xf32>
    %reduce_min3A_25 = vector.multi_reduction <minimumf>, %add3A_24, %reduce_min3A [1] : vector<1024x2560xf32> to vector<1024xf32>
    %broadcast_in_dim3A = vector.shape_cast %reduce_min3A_25 : vector<1024xf32> to vector<1024x1xf32>
    %add3A_26 = vector.broadcast %get3A_21 : vector<1x2560xf32> to vector<1024x2560xf32>
    %add3A_27 = arith.addf %sub3A_22, %add3A_26 : vector<1024x2560xf32>
    %reduce_min3A_28 = arith.constant dense<0x7F800000> : vector<1024xf32>
    %reduce_min3A_29 = vector.multi_reduction <minimumf>, %add3A_27, %reduce_min3A_28 [1] : vector<1024x2560xf32> to vector<1024xf32>
    %broadcast_in_dim3A_30 = vector.shape_cast %reduce_min3A_29 : vector<1024xf32> to vector<1024x1xf32>
    %convert_element_type3A_31 = arith.truncf %broadcast_in_dim3A : vector<1024x1xf32> to vector<1024x1xbf16>
    %convert_element_type3A_32 = arith.extf %convert_element_type3A_31 : vector<1024x1xbf16> to vector<1024x1xf32>
    %lt3A = arith.cmpf olt, %broadcast_in_dim3A_30, %convert_element_type3A_32 : vector<1024x1xf32>
    %select_n3A = arith.select %lt3A, %broadcast_in_dim3A_30, %broadcast_in_dim3A : vector<1024x1xi1>, vector<1024x1xf32>
    %broadcast_in_dim3A_33 = vector.shape_cast %lt3A : vector<1024x1xi1> to vector<1024x1xi1>
    %broadcast_in_dim3A_34 = vector.broadcast %broadcast_in_dim3A_33 : vector<1024x1xi1> to vector<1024x2560xi1>
    %broadcast_in_dim3A_35 = vector.shape_cast %get3A_21 : vector<1x2560xf32> to vector<1x2560xf32>
    %broadcast_in_dim3A_36 = vector.broadcast %broadcast_in_dim3A_35 : vector<1x2560xf32> to vector<1024x2560xf32>
    %broadcast_in_dim3A_37 = vector.shape_cast %get3A_16 : vector<1x2560xf32> to vector<1x2560xf32>
    %broadcast_in_dim3A_38 = vector.broadcast %broadcast_in_dim3A_37 : vector<1x2560xf32> to vector<1024x2560xf32>
    %select_n3A_39 = arith.select %broadcast_in_dim3A_34, %broadcast_in_dim3A_36, %broadcast_in_dim3A_38 : vector<1024x2560xi1>, vector<1024x2560xf32>
    %get3A_40 = arith.constant 0 : index
    %get3A_41 = arith.constant 0 : index
    %get3A_42 = arith.constant 0 : index
    %get3A_43 = vector.load %arg6[%get3A_40, %get3A_41, %get3A_42] : memref<1x1x2560xf32, #tpu.memory_space<vmem>>, vector<1x1x2560xf32>
    %get3A_44 = vector.shape_cast %get3A_43 : vector<1x1x2560xf32> to vector<1x2560xf32>
    %add3A_45 = arith.addf %sub3A_22, %select_n3A_39 : vector<1024x2560xf32>
    %eq3A = vector.broadcast %select_n3A : vector<1024x1xf32> to vector<1024x2560xf32>
    %eq3A_46 = arith.cmpf oeq, %add3A_45, %eq3A : vector<1024x2560xf32>
    %jit3A = arith.constant 2.560000e+03 : f32
    %broadcast_in_dim3A_47 = vector.shape_cast %get3A_44 : vector<1x2560xf32> to vector<1x2560xf32>
    %broadcast_in_dim3A_48 = vector.broadcast %broadcast_in_dim3A_47 : vector<1x2560xf32> to vector<1024x2560xf32>
    %broadcast_in_dim3A_49 = vector.broadcast %jit3A : f32 to vector<1024x2560xf32>
    %select_n3A_50 = arith.select %eq3A_46, %broadcast_in_dim3A_48, %broadcast_in_dim3A_49 : vector<1024x2560xi1>, vector<1024x2560xf32>
    %reduce_min3A_51 = arith.constant dense<0x7F800000> : vector<1024xf32>
    %reduce_min3A_52 = vector.multi_reduction <minimumf>, %select_n3A_50, %reduce_min3A_51 [1] : vector<1024x2560xf32> to vector<1024xf32>
    %convert_element_type3A_53 = arith.fptosi %reduce_min3A_52 : vector<1024xf32> to vector<1024xi32>
    %swap3A = arith.constant 0 : index
    %swap3A_54 = arith.constant 0 : index
    %swap3A_55 = arith.constant 0 : index
    %swap3A_56 = vector.load %arg7[%swap3A, %swap3A_54, %swap3A_55] : memref<1x1x1024xi32, #tpu.memory_space<vmem>>, vector<1x1x1024xi32>
    %swap3A_57 = vector.shape_cast %swap3A_56 : vector<1x1x1024xi32> to vector<1024xi32>
    %swap3A_58 = vector.shape_cast %convert_element_type3A_53 : vector<1024xi32> to vector<1x1x1024xi32>
    tpu.vector_store %arg7[%swap3A, %swap3A_54, %swap3A_55], %swap3A_58 {strides = array<i32>} : memref<1x1x1024xi32, #tpu.memory_space<vmem>>, vector<1x1x1024xi32>,
    %div3A = arith.constant 50 : i32
    %div3A_59 = vector.broadcast %div3A : i32 to vector<1024xi32>
    %div3A_60 = arith.divsi %convert_element_type3A_53, %div3A_59 : vector<1024xi32>
    %convert_element_type3A_61 = arith.sitofp %div3A_60 : vector<1024xi32> to vector<1024xf32>
    %swap3A_62 = arith.constant 0 : index
    %swap3A_63 = arith.constant 0 : index
    %swap3A_64 = arith.constant 0 : index
    %swap3A_65 = vector.load %arg8[%swap3A_62, %swap3A_63, %swap3A_64] : memref<1x1x1024xf32, #tpu.memory_space<vmem>>, vector<1x1x1024xf32>
    %swap3A_66 = vector.shape_cast %swap3A_65 : vector<1x1x1024xf32> to vector<1024xf32>
    %swap3A_67 = vector.shape_cast %convert_element_type3A_61 : vector<1024xf32> to vector<1x1x1024xf32>
    tpu.vector_store %arg8[%swap3A_62, %swap3A_63, %swap3A_64], %swap3A_67 {strides = array<i32>} : memref<1x1x1024xf32, #tpu.memory_space<vmem>>, vector<1x1x1024xf32>,
    %rem3A = arith.constant 50 : i32
    %rem3A_68 = vector.broadcast %rem3A : i32 to vector<1024xi32>
    %rem3A_69 = arith.remsi %convert_element_type3A_53, %rem3A_68 : vector<1024xi32>
    %convert_element_type3A_70 = arith.sitofp %rem3A_69 : vector<1024xi32> to vector<1024xf32>
    %swap3A_71 = arith.constant 0 : index
    %swap3A_72 = arith.constant 0 : index
    %swap3A_73 = arith.constant 0 : index
    %swap3A_74 = vector.load %arg9[%swap3A_71, %swap3A_72, %swap3A_73] : memref<1x1x1024xf32, #tpu.memory_space<vmem>>, vector<1x1x1024xf32>
    %swap3A_75 = vector.shape_cast %swap3A_74 : vector<1x1x1024xf32> to vector<1024xf32>
    %swap3A_76 = vector.shape_cast %convert_element_type3A_70 : vector<1024xf32> to vector<1x1x1024xf32>
    tpu.vector_store %arg9[%swap3A_71, %swap3A_72, %swap3A_73], %swap3A_76 {strides = array<i32>} : memref<1x1x1024xf32, #tpu.memory_space<vmem>>, vector<1x1x1024xf32>,
    return
  }
  func.func @transform_0(%arg0: i32) -> (i32, i32) {
    %c0_i32 = arith.constant 0 : i32
    %c0_i32_0 = arith.constant 0 : i32
    return %arg0, %c0_i32 : i32, i32
  }
  func.func @transform_1(%arg0: i32) -> (i32, i32, i32) {
    %c0_i32 = arith.constant 0 : i32
    %c0_i32_0 = arith.constant 0 : i32
    %c0_i32_1 = arith.constant 0 : i32
    return %arg0, %c0_i32, %c0_i32_0 : i32, i32, i32
  }
  func.func @transform_2(%arg0: i32) -> (i32, i32) {
    %c0_i32 = arith.constant 0 : i32
    %c0_i32_0 = arith.constant 0 : i32
    %c0_i32_1 = arith.constant 0 : i32
    return %c0_i32, %c0_i32_0 : i32, i32
  }
  func.func @transform_3(%arg0: i32) -> (i32, i32, i32) {
    %c0_i32 = arith.constant 0 : i32
    %c0_i32_0 = arith.constant 0 : i32
    %c0_i32_1 = arith.constant 0 : i32
    %c0_i32_2 = arith.constant 0 : i32
    return %c0_i32, %c0_i32_0, %c0_i32_1 : i32, i32, i32
  }
  func.func @transform_4(%arg0: i32) -> (i32, i32, i32) {
    %c0_i32 = arith.constant 0 : i32
    %c0_i32_0 = arith.constant 0 : i32
    %c0_i32_1 = arith.constant 0 : i32
    %c0_i32_2 = arith.constant 0 : i32
    return %c0_i32, %c0_i32_0, %c0_i32_1 : i32, i32, i32
  }
  func.func @transform_5(%arg0: i32) -> (i32, i32, i32) {
    %c0_i32 = arith.constant 0 : i32
    %c0_i32_0 = arith.constant 0 : i32
    %c0_i32_1 = arith.constant 0 : i32
    %c0_i32_2 = arith.constant 0 : i32
    return %c0_i32, %c0_i32_0, %c0_i32_1 : i32, i32, i32
  }
  func.func @transform_6(%arg0: i32) -> (i32, i32, i32) {
    %c0_i32 = arith.constant 0 : i32
    %c0_i32_0 = arith.constant 0 : i32
    %c0_i32_1 = arith.constant 0 : i32
    return %arg0, %c0_i32, %c0_i32_0 : i32, i32, i32
  }
  func.func @transform_7(%arg0: i32) -> (i32, i32, i32) {
    %c0_i32 = arith.constant 0 : i32
    %c0_i32_0 = arith.constant 0 : i32
    %c0_i32_1 = arith.constant 0 : i32
    return %arg0, %c0_i32, %c0_i32_0 : i32, i32, i32
  }
  func.func @transform_8(%arg0: i32) -> (i32, i32, i32) {
    %c0_i32 = arith.constant 0 : i32
    %c0_i32_0 = arith.constant 0 : i32
    %c0_i32_1 = arith.constant 0 : i32
    return %arg0, %c0_i32, %c0_i32_0 : i32, i32, i32
  }
}

</mosaic_0001>

<sc_bundles>
// kernel: kernel.4.cloned.1.call-start
scs
__scs_entry_jumppad:
0x0: {  	(pc) =	sbr.rel $0x88, $3  }
0x1: {  	(tag) =	ssettag $0x0;
	lr =	simm.s32 $0x1  }
0x2: {  	[smem:$0x3F9F] =	sst lr;
	_ =	strace $0xD0000000  }
0x3: {  	_ = 	snop  }
0x4: {  	_ = 	snop  }
0x5: {  	_ = 	snop  }
0x6: {  	_ = 	snop  }
0x7: {  	_ = 	snop  }
__scs_overlays_trampoline_lowered:
0x8: {  	[smem:$0x3FAE] =	sst s0  }
0x9: {  	[smem:$0x3FAF] =	sst s1  }
0xa: {  	[smem:$0x3FB0] =	sst s2  }
0xb: {  	[smem:$0x3FB1] =	sst s3  }
0xc: {  	[smem:$0x3FB2] =	sst s4  }
0xd: {  	[smem:$0x3FB3] =	sst s5  }
0xe: {  	[smem:$0x3FB4] =	sst s6  }
0xf: {  	[smem:$0x3FB5] =	sst s7  }
0x10: {  	[smem:$0x3FB6] =	sst s8  }
0x11: {  	[smem:$0x3FB7] =	sst s9;
	s0 =	simm.s32 @!p0 $0x0  }
0x12: {  	s1 =	sld [smem:$0x3F9D];
	s0 =	simm.s32 @p0 $0x1  }
0x13: {  	[smem:$0x3FB8] =	sst s0;
	s0 =	simm.s32 @!p1 $0x0  }
0x14: {  	s2 =	sld [smem:$0x3F9C];
	s0 =	simm.s32 @p1 $0x1  }
0x15: {  	[smem:$0x3FB9] =	sst s0;
	s0 =	simm.s32 @!p2 $0x0  }
0x16: {  	s3 =	sld [smem:$0x3FDB];
	s0 =	simm.s32 @p2 $0x1  }
0x17: {  	s4 =	simm.s32 $0x1BF5;
	[smem:$0x3FBB] =	sst s0  }
0x18: {  	s0 =	sld [smem:$0x3F9E];
	_ =	swait.ge [sflag:s4], $0x0  }
0x19: {  	s7 =	sld [smem:$0x3F9F]  }
0x1a: {  	s8 =	sadd.s32 $0xFFFFE003, lr  }
0x1b: {  	s9 =	sadd.s32 $0xFFFFFEF7, lr;
	s5 =	simm.s32 $0xFFFFFFFF;
	p2 =	slt.u32 s8, $0xFFFFF086  }
0x1c: {  	p1 =	slt.u32 s9, $0xF7A;
	s5 =	simm.s32 @!p2 $0x0  }
0x1d: {  	s5 =	simm.s32 @p1 $0x1;
	p0 =	seq.s32 s7, s2  }
0x1e: {  	s7 =	smul.u32 @!p0 $0xF7A, s2;
	p2 =	seq.s32 @!p0 s5, $0x0  }
0x1f: {  	s9 =	smul.u32 $0xF7A, s1;
	s8 =	simm.s32 @!p0 $0x1BF5;
	p2 =	por !p2, p0  }
0x20: {  	[sflag:s8] =	ssyncset.s32 @!p0 $0xFFFFF086;
	s6 =	sadd.s32 @!p0 s3, s7;
	s7 =	simm.s32 @!p0 $0x108  }
0x21: {  	s3 =	sadd.s32 s3, s9;
	s6 =	sadd.s32 @!p0 $0x88, s6;
	s7 =	simm.s32 @p2 $0x1082  }
0x22: {  	[simem:s7], [sflag:s8] =	dma.local @!p0 [hbm:s6], $0xF7A  }
0x23: {  	s9 =	sor.u32 $0xD0000000, s2;
	s6 =	simm.s32 $0x108;
	_ =	swait.ge @!p0 [sflag:s8], $0x0  }
0x24: {  	s3 =	sadd.s32 $0x88, s3;
	s6 =	simm.s32 @!p1 $0x1082;
	[sflag:s4] =	ssyncset.s32 $0xFFFFF086  }
0x25: {  	[simem:s6], [sflag:s4] =	dma.local [hbm:s3], $0xF7A  }
0x26: {  	[smem:$0x3F9F] =	sst s1;
	(tag) =	ssettag s2;
	_ =	strace s9  }
0x27: {  	s1 =	sld [smem:$0x3FAF]  }
0x28: {  	s2 =	sld [smem:$0x3FB0]  }
0x29: {  	s4 =	sld [smem:$0x3FB2]  }
0x2a: {  	p0 =	seq.s32 s5, $0x0;
	s5 =	sld [smem:$0x3FB3]  }
0x2b: {  	s6 =	sld [smem:$0x3FB4]  }
0x2c: {  	s7 =	sld [smem:$0x3FB5]  }
0x2d: {  	s3 =	simm.s32 $0x108;
	s8 =	sld [smem:$0x3FB6]  }
0x2e: {  	s3 =	simm.s32 @!p0 $0x1082;
	s9 =	sld [smem:$0x3FB7]  }
0x2f: {  	lr =	sadd.s32 s0, s3;
	s0 =	sld [smem:$0x3FAE]  }
0x30: {  	s3 =	sld [smem:$0x3FB1]  }
0x31: {  	[smem:$0x3FBA] =	sst s10  }
0x32: {  	s10 =	sld [smem:$0x3FB8];
	_ =	sdelay $0x3  }
0x33: {  	p0 =	seq.s32 s10, $0x1;
	s10 =	sld [smem:$0x3FBA];
	_ =	sdelay $0x3  }
0x34: {  	[smem:$0x3FBA] =	sst s10  }
0x35: {  	s10 =	sld [smem:$0x3FB9];
	_ =	sdelay $0x3  }
0x36: {  	p1 =	seq.s32 s10, $0x1;
	s10 =	sld [smem:$0x3FBA];
	_ =	sdelay $0x3  }
0x37: {  	[smem:$0x3FBA] =	sst s10  }
0x38: {  	s10 =	sld [smem:$0x3FBB]  }
0x39: {  	_ = 	snop;
	(pc) =	sbr.ind lr, $3  }
0x3a: {  	_ = 	snop  }
0x3b: {  	_ = 	snop  }
0x3c: {  	p2 =	seq.s32 s10, $0x1;
	s10 =	sld [smem:$0x3FBA]  }
0x3d: {  	_ =	shalt  }
0x3e: {  	_ =	shalt  }
0x3f: {  	_ =	shalt  }
0x40: {  	_ =	shalt  }
0x41: {  	_ =	shalt  }
0x42: {  	_ =	shalt  }
0x43: {  	_ =	shalt  }
0x44: {  	_ =	shalt  }
0x45: {  	_ =	shalt  }
0x46: {  	_ =	shalt  }
0x47: {  	_ =	shalt  }
0x48: {  	_ =	shalt  }
0x49: {  	_ =	shalt  }
0x4a: {  	_ =	shalt  }
0x4b: {  	_ =	shalt  }
0x4c: {  	_ =	shalt  }
0x4d: {  	_ =	shalt  }
0x4e: {  	_ =	shalt  }
0x4f: {  	_ =	shalt  }
0x50: {  	_ =	shalt  }
0x51: {  	_ =	shalt  }
0x52: {  	_ =	shalt  }
0x53: {  	_ =	shalt  }
0x54: {  	_ =	shalt  }
0x55: {  	_ =	shalt  }
0x56: {  	_ =	shalt  }
0x57: {  	_ =	shalt  }
0x58: {  	_ =	shalt  }
0x59: {  	_ =	shalt  }
0x5a: {  	_ =	shalt  }
0x5b: {  	_ =	shalt  }
0x5c: {  	_ =	shalt  }
0x5d: {  	_ =	shalt  }
0x5e: {  	_ =	shalt  }
0x5f: {  	_ =	shalt  }
0x60: {  	_ =	shalt  }
0x61: {  	_ =	shalt  }
0x62: {  	_ =	shalt  }
0x63: {  	_ =	shalt  }
0x64: {  	_ =	shalt  }
0x65: {  	_ =	shalt  }
0x66: {  	_ =	shalt  }
0x67: {  	_ =	shalt  }
0x68: {  	_ =	shalt  }
0x69: {  	_ =	shalt  }
0x6a: {  	_ =	shalt  }
0x6b: {  	_ =	shalt  }
0x6c: {  	_ =	shalt  }
0x6d: {  	_ =	shalt  }
0x6e: {  	_ =	shalt  }
0x6f: {  	_ =	shalt  }
0x70: {  	_ =	shalt  }
0x71: {  	_ =	shalt  }
0x72: {  	_ =	shalt  }
0x73: {  	_ =	shalt  }
0x74: {  	_ =	shalt  }
0x75: {  	_ =	shalt  }
0x76: {  	_ =	shalt  }
0x77: {  	_ =	shalt  }
0x78: {  	_ =	shalt  }
0x79: {  	_ =	shalt  }
0x7a: {  	_ =	shalt  }
0x7b: {  	_ =	shalt  }
0x7c: {  	_ =	shalt  }
0x7d: {  	_ =	shalt  }
0x7e: {  	_ =	shalt  }
0x7f: {  	_ =	shalt  }
0x80: {  	_ =	shalt  }
0x81: {  	_ =	shalt  }
0x82: {  	_ =	shalt  }
0x83: {  	_ =	shalt  }
0x84: {  	_ =	shalt  }
0x85: {  	_ =	shalt  }
0x86: {  	_ =	shalt  }
0x87: {  	_ =	shalt  }
.Lfunc_end0:
.L_simem_size_0:
called_computation_lowered:
.L_overlay_start_0:
0x88: {  	s2 =	sld [smem:$0x3FD9]  }
0x89: {  	s3 =	sld [smem:$0x3FFE];
	_ =	sdelay $0x1  }
0x8a: {  	s1 =	srdreg.scid  }
0x8b: {  	s0 =	sand.u32 $0x1, s1  }
0x8c: {  	s14 =	sshll.u32 s0, $0xA;
	s2 =	sadd.s32 s3, s2  }
0x8d: {  	s2 =	sadd.s32 s2, s14  }
0x8e: {  	[smem:$0x3FC6] =	sst s2  }
0x8f: {  	_ = 	snop  }
0x90: {  	s2 =	sld [smem:$0x3FD0];
	_ =	sdelay $0x2  }
0x91: {  	s4 =	simm.s32 $0xA;
	s5 =	simm.s32 $0x10;
	s15 =	sld [smem:$0x3FC8]  }
0x92: {  	[smem:s5], [sflag:s4] =	dma.local [hbm:s2], $0x1  }
0x93: {  	_ =	swait.eq [sflag:s4], $0x1  }
0x94: {  	[sflag:s4] =	ssyncset.done $0x0  }
0x95: {  	[sflag:s4] =	ssyncadd.s32 $0xFFFFFFFF  }
0x96: {  	s16 =	sld [smem:$0x10];
	(tm) =	ssettm $0x1  }
0x97: {  	s17 =	sld [smem:$0x3FFB];
	_ =	sdelay $0x3  }
0x98: {  	_ =	strace s17  }
0x99: {  	s4 =	sld [smem:$0x3FFC];
	_ =	sdelay $0x3  }
0x9a: {  	_ =	strace s4  }
0x9b: {  	s4 =	sld [smem:$0x3FFD];
	_ =	sdelay $0x3  }
0x9c: {  	_ =	strace s4  }
0x9d: {  	_ =	strace $0x8FFFFFFF  }
0x9e: {  	s18 =	sld [smem:$0x3FDB];
	_ =	sdelay $0x1  }
0x9f: {  	s19 =	simm.s32 $_scs_section_size  }
0xa0: {  	s6 =	simm.s32 $_size__tile_overlayer_lowered;
	s7 =	simm.s32 $_tile_overlayer_lowered  }
0xa1: {  	s22 =	simm.s32 $0x1BFF;
	s21 =	sshll.u32 s7, $0x1;
	s4 =	sadd.s32 s19, s18  }
0xa2: {  	s8 =	simm.s32 $0x0;
	s20 =	sshll.u32 s6, $0x1;
	s6 =	sadd.s32 s21, s4  }
0xa3: {  	[timem:s8], [sflag:s22] =	dma.local [hbm:s6], s20  }
0xa4: {  	_ =	swait.ge [sflag:s22], s20  }
0xa5: {  	s5 =	ssub.s32 $0x0, s20;
	[sflag:s22] =	ssyncset.done $0x0  }
0xa6: {  	[sflag:s22] =	ssyncadd.s32 s5;
	_ =	sdelay $0x1  }
0xa7: {  	s23 =	simm.s32 $0x1B8B  }
0xa8: {  	_ =	swait.ge [sflag:s23], $0x1  }
0xa9: {  	[sflag:s23] =	ssyncset.done $0x0  }
0xaa: {  	s25 =	simm.s32 $0x1B8E;
	s24 =	sld [smem:$0x3FFE];
	[sflag:s23] =	ssyncadd.s32 $0xFFFFFFFF  }
0xab: {  	s26 =	simm.s32 $execute0_lowered;
	[smem:$0x3FD2] =	sst s25  }
0xac: {  	s6 =	sshll.u32 s26, $0x1;
	_ =	strace $0x80000046;
	[dreg:$0x1] =	wrdreg $0xFFFFFFFF  }
0xad: {  	s28 =	simm.s32 $_size_execute0_lowered;
	s4 =	sadd.s32 s4, s6;
	[dreg:$0x0] =	wrdreg $0x0  }
0xae: {  	s6 =	sshll.u32 s28, $0x1;
	[dreg:$0x2] =	wrdreg s4  }
0xaf: {  	[dreg:$0x3] =	wrdreg s6  }
0xb0: {  	[dreg:$0x4] =	wrdreg $0xC0  }
0xb1: {  	_ =	task [dreg:s8], $0x5FFFF  }
0xb2: {  	[dreg:$0x1] =	wrdreg $0xFFFFFFFF  }
0xb3: {  	[dreg:$0x0] =	wrdreg $0x60  }
0xb4: {  	[dreg:$0x2] =	wrdreg s15  }
0xb5: {  	[dreg:$0x3] =	wrdreg s24  }
0xb6: {  	[dreg:$0x4] =	wrdreg s16  }
0xb7: {  	[dreg:$0x5] =	wrdreg $0x9  }
0xb8: {  	_ =	task.clear_ibuf [dreg:s8], $0x6FFFF;
	_ =	strace $0x90000046  }
0xb9: {  	s29 =	simm.s32 $0x9;
	_ =	strace $0x80000048  }
0xba: {  	_ =	swait.ge [sflag:s29], $0x1  }
0xbb: {  	[sflag:s29] =	ssyncadd.s32 $0xFFFFFFFF  }
0xbc: {  	_ =	strace $0x90000048  }
0xbd: {  	_ =	sfence  }
0xbe: {  	s30 =	sld [smem:$0x0];
	_ =	sdelay $0x2  }
0xbf: {  	s31 =	sshll.u32 s1, $0xD;
	s1 =	sshrl.u32 s1, $0x2  }
0xc0: {  	s3 =	sand.u32 $0x4000, s31;
	s1 =	sadd.s32 s1, s30  }
0xc1: {  	s0 =	sor.u32 s3, s0;
	s1 =	sshll.u32 s1, $0x11  }
0xc2: {  	s0 =	sor.u32 s1, s0  }
0xc3: {  	s0 =	sadd.s32 $0x8F2B, s0  }
0xc4: {  	[sflag:s0] =	ssyncadd.remote.s32 $0x1  }
0xc5: {  	_ =	sfence.sel $0xFFFF  }
0xc6: {  	[dreg:$0x0] =	wrdreg $0xFFFFFFFF;
	(pc) =	sbr.abs _section_cstart, $3  }
0xc7: {  	[dreg:$0x1] =	wrdreg $0xFFFFFFFF  }
0xc8: {  	_ =	task.clear_ibuf [dreg:s8], $0x2FFFF;
	_ =	strace $0x9FFFFFFF  }
0xc9: {  	(tm) =	ssettm $0x7FFFFFFF  }
tec
execute0_lowered:
.L_overlay_start_1:
0x0: {  	(tag) =	ssettag $0x1  }
0x1: {  	s1 =	rddreg [dreg:$0x0];
	s2 =	srdreg.scid  }
0x2: {  	s4 =	rddreg [dreg:$0x1];
	s0 =	stileid.u32;
	s12 =	sand.u32 $0x1, s2  }
0x3: {  	s13 =	rddreg [dreg:$0x2];
	s5 =	sshll.u32 s0, $0x9;
	s6 =	sshll.u32 s12, $0x8  }
0x4: {  	s3 =	simm.s32 $0x0;
	s2 =	rddreg [dreg:$0x3];
	s11 =	sor.u32 s6, s5  }
0x5: {  	[smem:$0x7FF] =	sst s3;
	s28 =	sadd.s32 $0x400, s4;
	s29 =	sshrl.u32 s11, $0x3  }
0x6: {  	_ =	strace $0x80000047;
	s5 =	simm.s32 $0x3;
	s4 =	sadd.s32 s28, s29  }
0x7: {  	[tilespmem:s3], [sflag:$0x3] =	stream.linear.gather [hbm4b:s4+s3], $0x80, $0x38;
	[tilespmem:$0x8100] =	vst v63  }
0x8: {  	s14 =	sor.u32 $0x80, s11;
	_ =	swait.ge [sflag:s5], $0x80  }
0x9: {  	s7 =	sshrl.u32 s14, $0x3;
	[sflag:s5] =	ssyncset.done $0x0  }
0xa: {  	s6 =	sadd.s32 s28, s7;
	s7 =	simm.s32 $0x80;
	[sflag:s5] =	ssyncadd.s32 $0xFFFFFF80  }
0xb: {  	[tilespmem:s7], [sflag:$0x3] =	stream.linear.gather [hbm4b:s6+s3], $0x80, $0x38;
	[tilespmem:$0x8100] =	vst v63  }
0xc: {  	_ =	swait.ge [sflag:s5], $0x80  }
0xd: {  	[sflag:s5] =	ssyncset.done $0x0  }
0xe: {  	s8 =	simm.s32 $0x100;
	[sflag:s5] =	ssyncadd.s32 $0xFFFFFF80  }
0xf: {  	[tilespmem:s8], [sflag:$0x1] =	stream.indirect.gather [hbm4b:s1+s7], $0x80, s3, s7, $0xb8;
	[tilespmem:$0x8100] =	vst v63  }
0x10: {  	s9 =	simm.s32 $0x4100;
	s10 =	simm.s32 $0x1  }
0x11: {  	[tilespmem:s9], [sflag:$0x1] =	stream.indirect.gather [hbm4b:s1+s7], $0x80, s7, s7, $0xb8;
	[tilespmem:$0x8100] =	vst v63  }
0x12: {  	_ =	swait.ge [sflag:s10], $0x4000  }
0x13: {  	s15 =	ssub.s32 $0x2, s12;
	s11 =	sshll.u32 s11, $0x4;
	[sflag:s10] =	ssyncset.done $0x0  }
0x14: {  	s31 =	sshrl.u32 s15, $0x1;
	s11 =	sadd.s32 s13, s11;
	[sflag:s10] =	ssyncadd.s32 $0xFFFFC000  }
0x15: {  	[hbm4b:s11+s3] =	stream.linear.scatter [tilespmem:s8], [sflag:$0x2], $0x4000, $0x38;
	[tilespmem:$0x8100] =	vst v63  }
0x16: {  	s30 =	sshll.u32 s14, $0x4;
	s14 =	ssub.s32 s15, s31;
	_ =	swait.ge [sflag:s10], $0x4000  }
0x17: {  	s12 =	simm.s32 $0x2;
	s14 =	smax.u32 s14, $0x1;
	[sflag:s10] =	ssyncset.done $0x0  }
0x18: {  	s13 =	sadd.s32 s13, s30;
	p0 =	sne.s32 s14, $0x1;
	[sflag:s10] =	ssyncadd.s32 $0xFFFFC000  }
0x19: {  	[hbm4b:s13+s3] =	stream.linear.scatter [tilespmem:s9], [sflag:$0x2], $0x4000, $0x38;
	[tilespmem:$0x8100] =	vst v63  }
.Ltmp0:
0x1a: {  	_ =	swait.ge [sflag:s12], $0x4000;
	(pc) =	sbr.rel @!p0 .LBB2_2-.Ltmp0, $4  }
0x1b: {  	[sflag:s12] =	ssyncset.done $0x0  }
0x1c: {  	[sflag:s12] =	ssyncadd.s32 $0xFFFFC000  }
0x1d: {  	_ =	swait.ge [sflag:s12], $0x4000  }
0x1e: {  	s14 =	sadd.s32 $0xFFFFFFFF, s14;
	[sflag:s12] =	ssyncset.done $0x0  }
.LBB2_1:
0x1f: {  	p0 =	sne.s32 s14, $0x1;
	s14 =	sadd.s32 $0xFFFFFFFF, s14;
	[sflag:s12] =	ssyncadd.s32 $0xFFFFC000  }
0x20: {  	[tilespmem:s3], [sflag:$0x3] =	stream.linear.gather [hbm4b:s4+s3], $0x80, $0x38;
	[tilespmem:$0x8100] =	vst v63  }
0x21: {  	_ =	swait.ge [sflag:s5], $0x80  }
0x22: {  	[sflag:s5] =	ssyncset.done $0x0  }
0x23: {  	[sflag:s5] =	ssyncadd.s32 $0xFFFFFF80  }
0x24: {  	[tilespmem:s7], [sflag:$0x3] =	stream.linear.gather [hbm4b:s6+s3], $0x80, $0x38;
	[tilespmem:$0x8100] =	vst v63  }
0x25: {  	_ =	swait.ge [sflag:s5], $0x80  }
0x26: {  	[sflag:s5] =	ssyncset.done $0x0  }
0x27: {  	[sflag:s5] =	ssyncadd.s32 $0xFFFFFF80  }
0x28: {  	[tilespmem:s8], [sflag:$0x1] =	stream.indirect.gather [hbm4b:s1+s7], $0x80, s3, s7, $0xb8;
	[tilespmem:$0x8100] =	vst v63  }
0x29: {  	_ = 	snop  }
0x2a: {  	[tilespmem:s9], [sflag:$0x1] =	stream.indirect.gather [hbm4b:s1+s7], $0x80, s7, s7, $0xb8;
	[tilespmem:$0x8100] =	vst v63  }
0x2b: {  	_ =	swait.ge [sflag:s10], $0x4000  }
0x2c: {  	[sflag:s10] =	ssyncset.done $0x0  }
0x2d: {  	[sflag:s10] =	ssyncadd.s32 $0xFFFFC000  }
0x2e: {  	[hbm4b:s11+s3] =	stream.linear.scatter [tilespmem:s8], [sflag:$0x2], $0x4000, $0x38;
	[tilespmem:$0x8100] =	vst v63  }
0x2f: {  	_ =	swait.ge [sflag:s10], $0x4000  }
0x30: {  	[sflag:s10] =	ssyncset.done $0x0  }
0x31: {  	[sflag:s10] =	ssyncadd.s32 $0xFFFFC000  }
0x32: {  	[hbm4b:s13+s3] =	stream.linear.scatter [tilespmem:s9], [sflag:$0x2], $0x4000, $0x38;
	[tilespmem:$0x8100] =	vst v63  }
.Ltmp1:
0x33: {  	_ =	swait.ge [sflag:s12], $0x4000;
	(pc) =	sbr.rel @p0 .LBB2_1-.Ltmp1, $4  }
0x34: {  	[sflag:s12] =	ssyncset.done $0x0  }
0x35: {  	[sflag:s12] =	ssyncadd.s32 $0xFFFFC000  }
0x36: {  	_ =	swait.ge [sflag:s12], $0x4000  }
0x37: {  	[sflag:s12] =	ssyncset.done $0x0  }
.LBB2_2:
0x38: {  	[sflag:s12] =	ssyncadd.s32 $0xFFFFC000  }
0x39: {  	_ =	sfence.sel $0x180000  }
0x3a: {  	[bflag:$0x0] =	sbarrier.arrive $0xFFFF  }
0x3b: {  	p0 =	sne.s32 s0, $0x0;
	_ =	strace $0x90000047  }
0x3c: {  	s0 =	sadd.s32 @!p0 $0x100000, s2;
	[bflag:$0x2] =	sbarrier.arrive $0xFFFF  }
0x3d: {  	[sflag:s0] =	ssyncadd.tile.s32 @!p0 $0x1;
	_ =	shalt  }
.Lfunc_end2:
_tile_overlayer_lowered:
.L_overlay_start_2:
0x3e: {  	(tag) =	ssettag $0x2  }
0x3f: {  	s0 =	rddreg [dreg:$0x0];
	s2 =	stileid.u32  }
0x40: {  	s1 =	rddreg [dreg:$0x1];
	p0 =	sne.s32 s2, $0x0  }
0x41: {  	s3 =	rddreg [dreg:$0x2];
	[bflag:$0x3] =	sbarrier.arrive $0xFFFF;
	s2 =	simm.s32 @!p0 $0x1C03  }
0x42: {  	[timem:s3], [sflag:s2] =	dma.local @!p0 [hbm:s0], s1  }
0x43: {  	s0 =	simm.s32 @!p0 $0x3  }
0x44: {  	_ =	swait.ge @!p0 [sflag:s0], s1  }
0x45: {  	s1 =	ssub.s32 @!p0 $0x0, s1;
	[sflag:s0] =	ssyncset.done @!p0 $0x0  }
0x46: {  	[sflag:s0] =	ssyncadd.s32 @!p0 s1  }
0x47: {  	[bflag:$0x3] =	sbarrier.arrive $0xFFFF  }
0x48: {  	_ =	shalt  }

</sc_bundles>
